<compile_context>
chip_gen: v7x
topology: tpu7x:2x2x1
jax: 0.10.2.dev20260603
libtpu: 0.0.44.dev20260713+nightly
codegen_flags: <defaults>
</compile_context>

<pallas_src>
import jax
import jax.numpy as jnp
from jax import lax
from jax.experimental import pallas as pl
from jax.experimental.pallas import tpu as pltpu
from jax.experimental.pallas import tpu_sc as plsc

_K = 8192
_D = 32
_N = 8192
_RB = 1024
_CB = 1024
_BETA = 0.25

_NC = 2
_NS = 16
_NW = _NC * _NS
_BPW = _N // _NW
_IDXW = 128
_NIDX = _BPW // _IDXW
_KPS = _K // _NS


def _argmin_body(xt_ref, e_ref, idx_ref):
    xbt = xt_ref[...]
    x2 = jnp.sum(xbt * xbt, axis=0, keepdims=True)
    xbt_bf = xbt.astype(jnp.bfloat16).astype(jnp.float32)

    def step(j, carry):
        best_v, best_i = carry
        ec = e_ref[pl.ds(j * _CB, _CB), :]
        e2 = jnp.sum(ec * ec, axis=1, keepdims=True)
        mm = lax.dot_general(ec, xbt_bf, (((1,), (0,)), ((), ())),
                             preferred_element_type=jnp.float32)
        dist = (x2 + e2) - 2.0 * mm
        m = jnp.min(dist, axis=0, keepdims=True)
        ids = lax.broadcasted_iota(jnp.int32, (_CB, _RB), 0) + j * _CB
        cand = jnp.min(jnp.where(dist == m, ids, _K), axis=0, keepdims=True)
        take = m < best_v
        return jnp.where(take, m, best_v), jnp.where(take, cand, best_i)

    init = (jnp.full((1, _RB), jnp.inf, jnp.float32),
            jnp.zeros((1, _RB), jnp.int32))
    _, best_i = lax.fori_loop(0, _K // _CB, step, init)
    idx_ref[...] = best_i.reshape(1, 1, _RB)


def _tc_argmin(flat_xt, emb):
    return pl.pallas_call(
        _argmin_body,
        grid=(_N // _RB,),
        in_specs=[
            pl.BlockSpec((_D, _RB), lambda i: (0, i)),
            pl.BlockSpec((_K, _D), lambda i: (0, 0)),
        ],
        out_specs=pl.BlockSpec((1, 1, _RB), lambda i: (i, 0, 0)),
        out_shape=jax.ShapeDtypeStruct((_N // _RB, 1, _RB), jnp.int32),
    )(flat_xt, emb)


def _sc_body(x_hbm, e_hbm, idx_hbm, ones_hbm, zeros_hbm,
             q_hbm, cnt_hbm, lp_hbm,
             idx_v, rows_v, x_v, ones_v, acc_v, cnt_sh, sem):
    cid = lax.axis_index("c")
    sid = lax.axis_index("s")
    wid = sid * _NC + cid
    base = wid * _BPW

    pltpu.sync_copy(idx_hbm.at[pl.ds(wid * _NIDX, _NIDX)], idx_v)
    cp0 = pltpu.async_copy(e_hbm.at[idx_v.at[0]],
                           rows_v.at[pl.ds(0, _IDXW)], sem)
    cp1 = pltpu.async_copy(e_hbm.at[idx_v.at[1]],
                           rows_v.at[pl.ds(_IDXW, _IDXW)], sem)
    pltpu.sync_copy(x_hbm.at[pl.ds(base, _BPW)], x_v)
    cp0.wait()
    cp1.wait()

    def row_step(r, acc):
        for off in (0, 16):
            v = rows_v[r, pl.ds(off, 16)]
            xv = x_v[r, pl.ds(off, 16)]
            d = v - xv
            rows_v[r, pl.ds(off, 16)] = xv + d
            acc = acc + d * d
        return acc

    acc = lax.fori_loop(0, _BPW, row_step, jnp.zeros((16,), jnp.float32))
    acc_v[...] = acc
    pltpu.sync_copy(acc_v, lp_hbm.at[cid, sid])
    pltpu.sync_copy(rows_v, q_hbm.at[pl.ds(base, _BPW)])

    pltpu.sync_copy(ones_hbm, ones_v)
    pltpu.sync_copy(zeros_hbm.at[pl.ds(sid * _KPS, _KPS)],
                    cnt_sh.at[pl.ds(sid * _KPS, _KPS)])
    plsc.subcore_barrier()
    pltpu.sync_copy(ones_v, cnt_sh.at[idx_v.at[0]], add=True)
    pltpu.sync_copy(ones_v, cnt_sh.at[idx_v.at[1]], add=True)
    plsc.subcore_barrier()
    pltpu.sync_copy(cnt_sh.at[pl.ds(sid * _KPS, _KPS)],
                    cnt_hbm.at[cid, pl.ds(sid * _KPS, _KPS)])


def _sc_quantize(flat_x, emb, idx2d, ones_in, zeros_in):
    call = pl.kernel(
        _sc_body,
        out_type=[
            jax.ShapeDtypeStruct((_N, _D), jnp.float32),
            jax.ShapeDtypeStruct((_NC, _K, 16), jnp.float32),
            jax.ShapeDtypeStruct((_NC, _NS, 16), jnp.float32),
        ],
        mesh=plsc.VectorSubcoreMesh(core_axis_name="c", subcore_axis_name="s",
                                    num_cores=_NC, num_subcores=_NS),
        scratch_types=[
            pltpu.VMEM((_NIDX, _IDXW), jnp.int32),
            pltpu.VMEM((_BPW, _D), jnp.float32),
            pltpu.VMEM((_BPW, _D), jnp.float32),
            pltpu.VMEM((_IDXW, 16), jnp.float32),
            pltpu.VMEM((16,), jnp.float32),
            pltpu.VMEM_SHARED((_K, 16), jnp.float32),
            pltpu.SemaphoreType.DMA,
        ],
        compiler_params=pltpu.CompilerParams(use_tc_tiling_on_sc=False),
    )
    return call(flat_x, emb, idx2d, ones_in, zeros_in)


def _final_body(cnt_ref, lp_ref, loss_ref, perp_ref):
    c = cnt_ref[0] + cnt_ref[1]
    s = jnp.sum(c, axis=1, keepdims=True)
    mean = s * (1.0 / (16.0 * _N))
    ent = jnp.sum(mean * jnp.log(mean + 1e-10))
    perp_ref[0, 0] = jnp.exp(-ent)
    m = jnp.sum(lp_ref[...]) * (1.0 / (_N * _D))
    loss_ref[0, 0] = m * _BETA + m


def _tc_final(cnt, lp):
    return pl.pallas_call(
        _final_body,
        in_specs=[
            pl.BlockSpec(memory_space=pltpu.MemorySpace.VMEM),
            pl.BlockSpec(memory_space=pltpu.MemorySpace.VMEM),
        ],
        out_specs=[
            pl.BlockSpec(memory_space=pltpu.MemorySpace.SMEM),
            pl.BlockSpec(memory_space=pltpu.MemorySpace.SMEM),
        ],
        out_shape=[
            jax.ShapeDtypeStruct((1, 1), jnp.float32),
            jax.ShapeDtypeStruct((1, 1), jnp.float32),
        ],
    )(cnt, lp)


def kernel(x, embedding_weight):
    xp = jnp.transpose(x, (0, 2, 3, 1))
    flat_x = xp.reshape(_N, _D)
    flat_xt = jnp.transpose(flat_x, (1, 0))
    idx = _tc_argmin(flat_xt, embedding_weight)
    idx2d = idx.reshape(_N // _IDXW, _IDXW)
    ones_in = jnp.ones((_IDXW, 16), jnp.float32)
    zeros_in = jnp.zeros((_K, 16), jnp.float32)
    q, cnt, lp = _sc_quantize(flat_x, embedding_weight, idx2d,
                              ones_in, zeros_in)
    loss, perp = _tc_final(cnt, lp)
    qx = jnp.transpose(q.reshape(8, 32, 32, _D), (0, 3, 1, 2))
    return loss[0, 0], qx, perp[0, 0]

# --- scband reference (transcript-rebuilt; emitter-appended) ---
"""Pipeline reference for scband-vq-34548716929075 (READ-ONLY COPY).

The authoritative reference and input builder live on the scoring server;
editing this copy changes nothing except your own understanding.
"""

import jax, jax.numpy as jnp
import numpy as np

K = 8192
D = 32
BETA = 0.25

def setup_inputs(seed: int = 0) -> dict:
    key = jax.random.key(seed)
    k1, k2 = jax.random.split(key)
    x = jax.random.normal(k1, (8, 32, 32, 32), dtype=jnp.float32)
    embedding_weight = jax.random.uniform(k2, (K, D), dtype=jnp.float32, minval=-1.0 / K, maxval=1.0 / K)
    return {"x": x, "embedding_weight": embedding_weight}

def reference(x, embedding_weight):
    # x: [B, D, H, W] -> permute to [B, H, W, D]
    xp = jnp.transpose(x, (0, 2, 3, 1))
    x_shape = xp.shape
    flat_x = xp.reshape(-1, D)
    dist = (jnp.sum(flat_x ** 2, axis=1, keepdims=True)
            + jnp.sum(embedding_weight ** 2, axis=1)
            - 2.0 * jnp.matmul(flat_x, embedding_weight.T))
    min_encode_index = jnp.argmin(dist, axis=1)
    N = flat_x.shape[0]
    min_encode = jnp.zeros((N, K), dtype=jnp.float32).at[jnp.arange(N), min_encode_index].set(1.0)
    quantized_x = jnp.matmul(min_encode, embedding_weight).reshape(x_shape)
    commitment_loss = jnp.mean((jax.lax.stop_gradient(quantized_x) - xp) ** 2)
    embedding_loss = jnp.mean((quantized_x - jax.lax.stop_gradient(xp)) ** 2)
    loss = commitment_loss * BETA + embedding_loss
    quantized_x = xp + jax.lax.stop_gradient(quantized_x - xp)
    mean = jnp.mean(min_encode, axis=0)
    perplexity = jnp.exp(-jnp.sum(mean * jnp.log(mean + 1e-10)))
    quantized_x = jnp.transpose(quantized_x, (0, 3, 1, 2))
    return (loss, quantized_x, perplexity)

if __name__ == "__main__":
    import jax
    _d = setup_inputs()
    print(jax.jit(kernel)(*tuple(_d.values())))

</pallas_src>

<mosaic_0001>
#map = affine_map<(d0, d1) -> (0, 0)>
#map1 = affine_map<(d0, d1) -> (0, 0, 0)>
module attributes {stable_mosaic.version = 14 : i64} {
  func.func @_sc_body(%arg0: i32, %arg1: i32, %arg2: memref<8192x32xf32, #tpu.memory_space<hbm>>, %arg3: memref<8192x32xf32, #tpu.memory_space<hbm>>, %arg4: memref<64x128xi32, #tpu.memory_space<hbm>>, %arg5: memref<128x16xf32, #tpu.memory_space<hbm>>, %arg6: memref<8192x16xf32, #tpu.memory_space<hbm>>, %arg7: memref<8192x32xf32, #tpu.memory_space<hbm>>, %arg8: memref<2x8192x16xf32, #tpu.memory_space<hbm>>, %arg9: memref<2x16x16xf32, #tpu.memory_space<hbm>>, %arg10: memref<2x128xi32, #tpu.memory_space<vmem>>, %arg11: memref<256x32xf32, #tpu.memory_space<vmem>>, %arg12: memref<256x32xf32, #tpu.memory_space<vmem>>, %arg13: memref<128x16xf32, #tpu.memory_space<vmem>>, %arg14: memref<16xf32, #tpu.memory_space<vmem>>, %arg15: memref<8192x16xf32, #tpu.memory_space<vmem_shared>>, %arg16: memref<!tpu.dma_semaphore, #tpu.memory_space<semaphore_mem>>) attributes {dimension_semantics = [#tpu.dimension_semantics<core_parallel>, #tpu.dimension_semantics<subcore_parallel>], iteration_bounds = array<i64: 2, 16>, scalar_prefetch = 0 : i64, scratch_operands = 7 : i64, tpu.core_type = #tpu.core_type<sc_vector_subcore>, window_params = [{transform_indices = #map}, {transform_indices = #map}, {transform_indices = #map}, {transform_indices = #map}, {transform_indices = #map}, {transform_indices = #map}, {transform_indices = #map1}, {transform_indices = #map1}]} {
    %mul3A = arith.constant 2 : i32
    %mul3A_0 = arith.muli %arg1, %mul3A : i32
    %add3A = arith.addi %mul3A_0, %arg0 : i32
    %mul3A_1 = arith.constant 256 : i32
    %mul3A_2 = arith.muli %add3A, %mul3A_1 : i32
    %mul3A_3 = arith.constant 2 : i32
    %mul3A_4 = arith.muli %add3A, %mul3A_3 : i32
    "tpu.region"() ({
      %run_scoped3A_62 = tpu.sem_alloc : memref<!tpu.dma_semaphore, #tpu.memory_space<semaphore_mem>>
      %dma_start3A_63 = arith.constant 0 : i32
      %dma_start3A_64 = tpu.memref_slice %arg4[%mul3A_4, %dma_start3A_63] : memref<64x128xi32, #tpu.memory_space<hbm>> -> memref<2x128xi32, #tpu.memory_space<hbm>>
      %dma_start3A_65 = arith.constant 0 : i32
      %dma_start3A_66 = tpu.memref_slice %arg4[%mul3A_4, %dma_start3A_65] : memref<64x128xi32, #tpu.memory_space<hbm>> -> memref<2x128xi32, #tpu.memory_space<hbm>>
      tpu.enqueue_dma source(%dma_start3A_66 : memref<2x128xi32, #tpu.memory_space<hbm>>) target(%arg10 : memref<2x128xi32, #tpu.memory_space<vmem>>) target_semaphore(%run_scoped3A_62 : memref<!tpu.dma_semaphore, #tpu.memory_space<semaphore_mem>>)
      %dma_wait3A_67 = arith.constant 0 : i32
      %dma_wait3A_68 = tpu.memref_slice %arg4[%mul3A_4, %dma_wait3A_67] : memref<64x128xi32, #tpu.memory_space<hbm>> -> memref<2x128xi32, #tpu.memory_space<hbm>>
      %dma_wait3A_69 = arith.constant 0 : i32
      %dma_wait3A_70 = tpu.memref_slice %arg4[%mul3A_4, %dma_wait3A_69] : memref<64x128xi32, #tpu.memory_space<hbm>> -> memref<2x128xi32, #tpu.memory_space<hbm>>
      tpu.wait_dma2 semaphore(%run_scoped3A_62 : memref<!tpu.dma_semaphore, #tpu.memory_space<semaphore_mem>>) src(%dma_wait3A_70 : memref<2x128xi32, #tpu.memory_space<hbm>>) dst(%arg10 : memref<2x128xi32, #tpu.memory_space<vmem>>)
      tpu.yield
    }) : () -> ()
    %dma_start3A = arith.constant 0 : i32
    %dma_start3A_5 = arith.constant 0 : i32
    %dma_start3A_6 = arith.constant 0 : i32
    %dma_start3A_7 = tpu.memref_slice %arg11[%dma_start3A_5, %dma_start3A_6] : memref<256x32xf32, #tpu.memory_space<vmem>> -> memref<128x32xf32, #tpu.memory_space<vmem>>
    %dma_start3A_8 = arith.constant 0 : i32
    %dma_start3A_9 = tpu.memref_slice %arg10[%dma_start3A, %dma_start3A_8] : memref<2x128xi32, #tpu.memory_space<vmem>> -> memref<1x128xi32, #tpu.memory_space<vmem>>
    %dma_start3A_10 = tpu.memref_squeeze %dma_start3A_9 : memref<1x128xi32, #tpu.memory_space<vmem>> -> memref<128xi32, #tpu.memory_space<vmem>>
    %dma_start3A_11 = arith.constant 0 : i32
    %dma_start3A_12 = arith.constant 0 : i32
    %dma_start3A_13 = tpu.memref_slice %arg3[%dma_start3A_11, %dma_start3A_12] : memref<8192x32xf32, #tpu.memory_space<hbm>> -> memref<8192x32xf32, #tpu.memory_space<hbm>>
    tpu.enqueue_indirect_dma source(%dma_start3A_13 : memref<8192x32xf32, #tpu.memory_space<hbm>>) target(%dma_start3A_7 : memref<128x32xf32, #tpu.memory_space<vmem>>) offsets(%dma_start3A_10 : memref<128xi32, #tpu.memory_space<vmem>>) semaphore(%arg16 : memref<!tpu.dma_semaphore, #tpu.memory_space<semaphore_mem>>)
    %dma_start3A_14 = arith.constant 1 : i32
    %dma_start3A_15 = arith.constant 128 : i32
    %dma_start3A_16 = arith.constant 0 : i32
    %dma_start3A_17 = tpu.memref_slice %arg11[%dma_start3A_15, %dma_start3A_16] : memref<256x32xf32, #tpu.memory_space<vmem>> -> memref<128x32xf32, #tpu.memory_space<vmem>>
    %dma_start3A_18 = arith.constant 0 : i32
    %dma_start3A_19 = tpu.memref_slice %arg10[%dma_start3A_14, %dma_start3A_18] : memref<2x128xi32, #tpu.memory_space<vmem>> -> memref<1x128xi32, #tpu.memory_space<vmem>>
    %dma_start3A_20 = tpu.memref_squeeze %dma_start3A_19 : memref<1x128xi32, #tpu.memory_space<vmem>> -> memref<128xi32, #tpu.memory_space<vmem>>
    %dma_start3A_21 = arith.constant 0 : i32
    %dma_start3A_22 = arith.constant 0 : i32
    %dma_start3A_23 = tpu.memref_slice %arg3[%dma_start3A_21, %dma_start3A_22] : memref<8192x32xf32, #tpu.memory_space<hbm>> -> memref<8192x32xf32, #tpu.memory_space<hbm>>
    tpu.enqueue_indirect_dma source(%dma_start3A_23 : memref<8192x32xf32, #tpu.memory_space<hbm>>) target(%dma_start3A_17 : memref<128x32xf32, #tpu.memory_space<vmem>>) offsets(%dma_start3A_20 : memref<128xi32, #tpu.memory_space<vmem>>) semaphore(%arg16 : memref<!tpu.dma_semaphore, #tpu.memory_space<semaphore_mem>>)
    "tpu.region"() ({
      %run_scoped3A_62 = tpu.sem_alloc : memref<!tpu.dma_semaphore, #tpu.memory_space<semaphore_mem>>
      %dma_start3A_63 = arith.constant 0 : i32
      %dma_start3A_64 = tpu.memref_slice %arg2[%mul3A_2, %dma_start3A_63] : memref<8192x32xf32, #tpu.memory_space<hbm>> -> memref<256x32xf32, #tpu.memory_space<hbm>>
      %dma_start3A_65 = arith.constant 0 : i32
      %dma_start3A_66 = tpu.memref_slice %arg2[%mul3A_2, %dma_start3A_65] : memref<8192x32xf32, #tpu.memory_space<hbm>> -> memref<256x32xf32, #tpu.memory_space<hbm>>
      tpu.enqueue_dma source(%dma_start3A_66 : memref<256x32xf32, #tpu.memory_space<hbm>>) target(%arg12 : memref<256x32xf32, #tpu.memory_space<vmem>>) target_semaphore(%run_scoped3A_62 : memref<!tpu.dma_semaphore, #tpu.memory_space<semaphore_mem>>)
      %dma_wait3A_67 = arith.constant 0 : i32
      %dma_wait3A_68 = tpu.memref_slice %arg2[%mul3A_2, %dma_wait3A_67] : memref<8192x32xf32, #tpu.memory_space<hbm>> -> memref<256x32xf32, #tpu.memory_space<hbm>>
      %dma_wait3A_69 = arith.constant 0 : i32
      %dma_wait3A_70 = tpu.memref_slice %arg2[%mul3A_2, %dma_wait3A_69] : memref<8192x32xf32, #tpu.memory_space<hbm>> -> memref<256x32xf32, #tpu.memory_space<hbm>>
      tpu.wait_dma2 semaphore(%run_scoped3A_62 : memref<!tpu.dma_semaphore, #tpu.memory_space<semaphore_mem>>) src(%dma_wait3A_70 : memref<256x32xf32, #tpu.memory_space<hbm>>) dst(%arg12 : memref<256x32xf32, #tpu.memory_space<vmem>>)
      tpu.yield
    }) : () -> ()
    %dma_wait3A = arith.constant 0 : i32
    %dma_wait3A_24 = arith.constant 0 : i32
    %dma_wait3A_25 = arith.constant 0 : i32
    %dma_wait3A_26 = tpu.memref_slice %arg11[%dma_wait3A_24, %dma_wait3A_25] : memref<256x32xf32, #tpu.memory_space<vmem>> -> memref<128x32xf32, #tpu.memory_space<vmem>>
    %dma_wait3A_27 = arith.constant 0 : i32
    %dma_wait3A_28 = tpu.memref_slice %arg10[%dma_wait3A, %dma_wait3A_27] : memref<2x128xi32, #tpu.memory_space<vmem>> -> memref<1x128xi32, #tpu.memory_space<vmem>>
    %dma_wait3A_29 = tpu.memref_squeeze %dma_wait3A_28 : memref<1x128xi32, #tpu.memory_space<vmem>> -> memref<128xi32, #tpu.memory_space<vmem>>
    %dma_wait3A_30 = arith.constant 0 : i32
    %dma_wait3A_31 = arith.constant 0 : i32
    %dma_wait3A_32 = tpu.memref_slice %arg3[%dma_wait3A_30, %dma_wait3A_31] : memref<8192x32xf32, #tpu.memory_space<hbm>> -> memref<8192x32xf32, #tpu.memory_space<hbm>>
    tpu.wait_indirect_dma semaphore(%arg16 : memref<!tpu.dma_semaphore, #tpu.memory_space<semaphore_mem>>) src(%dma_wait3A_32 : memref<8192x32xf32, #tpu.memory_space<hbm>>) dst(%dma_wait3A_26 : memref<128x32xf32, #tpu.memory_space<vmem>>)
    %dma_wait3A_33 = arith.constant 1 : i32
    %dma_wait3A_34 = arith.constant 128 : i32
    %dma_wait3A_35 = arith.constant 0 : i32
    %dma_wait3A_36 = tpu.memref_slice %arg11[%dma_wait3A_34, %dma_wait3A_35] : memref<256x32xf32, #tpu.memory_space<vmem>> -> memref<128x32xf32, #tpu.memory_space<vmem>>
    %dma_wait3A_37 = arith.constant 0 : i32
    %dma_wait3A_38 = tpu.memref_slice %arg10[%dma_wait3A_33, %dma_wait3A_37] : memref<2x128xi32, #tpu.memory_space<vmem>> -> memref<1x128xi32, #tpu.memory_space<vmem>>
    %dma_wait3A_39 = tpu.memref_squeeze %dma_wait3A_38 : memref<1x128xi32, #tpu.memory_space<vmem>> -> memref<128xi32, #tpu.memory_space<vmem>>
    %dma_wait3A_40 = arith.constant 0 : i32
    %dma_wait3A_41 = arith.constant 0 : i32
    %dma_wait3A_42 = tpu.memref_slice %arg3[%dma_wait3A_40, %dma_wait3A_41] : memref<8192x32xf32, #tpu.memory_space<hbm>> -> memref<8192x32xf32, #tpu.memory_space<hbm>>
    tpu.wait_indirect_dma semaphore(%arg16 : memref<!tpu.dma_semaphore, #tpu.memory_space<semaphore_mem>>) src(%dma_wait3A_42 : memref<8192x32xf32, #tpu.memory_space<hbm>>) dst(%dma_wait3A_36 : memref<128x32xf32, #tpu.memory_space<vmem>>)
    %broadcast_in_dim3A = arith.constant 0.000000e+00 : f32
    %broadcast_in_dim3A_43 = vector.broadcast %broadcast_in_dim3A : f32 to vector<16xf32>
    %scan3A = arith.constant 0 : i32
    %scan3A_44 = arith.constant 256 : i32
    %scan3A_45 = arith.addi %scan3A, %scan3A_44 : i32
    %scan3A_46 = arith.constant 1 : i32
    %scan3A_47 = scf.for %scan3A_62 = %scan3A to %scan3A_45 step %scan3A_46 iter_args(%scan3A_63 = %broadcast_in_dim3A_43) -> (vector<16xf32>)  : i32 {
      %get3A = arith.index_cast %scan3A_62 : i32 to index
      %get3A_64 = arith.constant 0 : index
      %get3A_65 = tpu.vector_load %arg11[%get3A, %get3A_64] {strides = array<i32>} : memref<256x32xf32, #tpu.memory_space<vmem>>, vector<1x16xf32>,
      %get3A_66 = vector.shape_cast %get3A_65 : vector<1x16xf32> to vector<16xf32>
      %get3A_67 = arith.index_cast %scan3A_62 : i32 to index
      %get3A_68 = arith.constant 0 : index
      %get3A_69 = tpu.vector_load %arg12[%get3A_67, %get3A_68] {strides = array<i32>} : memref<256x32xf32, #tpu.memory_space<vmem>>, vector<1x16xf32>,
      %get3A_70 = vector.shape_cast %get3A_69 : vector<1x16xf32> to vector<16xf32>
      %sub3A = arith.subf %get3A_66, %get3A_70 : vector<16xf32>
      %add3A_71 = arith.addf %get3A_70, %sub3A : vector<16xf32>
      %swap3A_72 = arith.index_cast %scan3A_62 : i32 to index
      %swap3A_73 = arith.constant 0 : index
      %swap3A_74 = tpu.vector_load %arg11[%swap3A_72, %swap3A_73] {strides = array<i32>} : memref<256x32xf32, #tpu.memory_space<vmem>>, vector<1x16xf32>,
      %swap3A_75 = vector.shape_cast %swap3A_74 : vector<1x16xf32> to vector<16xf32>
      %swap3A_76 = vector.shape_cast %add3A_71 : vector<16xf32> to vector<1x16xf32>
      tpu.vector_store %arg11[%swap3A_72, %swap3A_73], %swap3A_76 {strides = array<i32>} : memref<256x32xf32, #tpu.memory_space<vmem>>, vector<1x16xf32>,
      %mul3A_77 = arith.mulf %sub3A, %sub3A : vector<16xf32>
      %add3A_78 = arith.addf %scan3A_63, %mul3A_77 : vector<16xf32>
      %get3A_79 = arith.index_cast %scan3A_62 : i32 to index
      %get3A_80 = arith.constant 16 : index
      %get3A_81 = tpu.vector_load %arg11[%get3A_79, %get3A_80] {strides = array<i32>} : memref<256x32xf32, #tpu.memory_space<vmem>>, vector<1x16xf32>,
      %get3A_82 = vector.shape_cast %get3A_81 : vector<1x16xf32> to vector<16xf32>
      %get3A_83 = arith.index_cast %scan3A_62 : i32 to index
      %get3A_84 = arith.constant 16 : index
      %get3A_85 = tpu.vector_load %arg12[%get3A_83, %get3A_84] {strides = array<i32>} : memref<256x32xf32, #tpu.memory_space<vmem>>, vector<1x16xf32>,
      %get3A_86 = vector.shape_cast %get3A_85 : vector<1x16xf32> to vector<16xf32>
      %sub3A_87 = arith.subf %get3A_82, %get3A_86 : vector<16xf32>
      %add3A_88 = arith.addf %get3A_86, %sub3A_87 : vector<16xf32>
      %swap3A_89 = arith.index_cast %scan3A_62 : i32 to index
      %swap3A_90 = arith.constant 16 : index
      %swap3A_91 = tpu.vector_load %arg11[%swap3A_89, %swap3A_90] {strides = array<i32>} : memref<256x32xf32, #tpu.memory_space<vmem>>, vector<1x16xf32>,
      %swap3A_92 = vector.shape_cast %swap3A_91 : vector<1x16xf32> to vector<16xf32>
      %swap3A_93 = vector.shape_cast %add3A_88 : vector<16xf32> to vector<1x16xf32>
      tpu.vector_store %arg11[%swap3A_89, %swap3A_90], %swap3A_93 {strides = array<i32>} : memref<256x32xf32, #tpu.memory_space<vmem>>, vector<1x16xf32>,
      %mul3A_94 = arith.mulf %sub3A_87, %sub3A_87 : vector<16xf32>
      %add3A_95 = arith.addf %add3A_78, %mul3A_94 : vector<16xf32>
      scf.yield %add3A_95 : vector<16xf32>
    }
    %scan3A_48 = arith.constant 256 : i32
    %swap3A = arith.constant 0 : index
    %swap3A_49 = tpu.vector_load %arg14[%swap3A] {strides = array<i32>} : memref<16xf32, #tpu.memory_space<vmem>>, vector<16xf32>,
    %swap3A_50 = vector.shape_cast %swap3A_49 : vector<16xf32> to vector<16xf32>
    %swap3A_51 = vector.shape_cast %scan3A_47 : vector<16xf32> to vector<16xf32>
    tpu.vector_store %arg14[%swap3A], %swap3A_51 {strides = array<i32>} : memref<16xf32, #tpu.memory_space<vmem>>, vector<16xf32>,
    "tpu.region"() ({
      %run_scoped3A_62 = tpu.sem_alloc : memref<!tpu.dma_semaphore, #tpu.memory_space<semaphore_mem>>
      %dma_start3A_63 = arith.constant 0 : i32
      %dma_start3A_64 = tpu.memref_slice %arg9[%arg0, %arg1, %dma_start3A_63] : memref<2x16x16xf32, #tpu.memory_space<hbm>> -> memref<1x1x16xf32, #tpu.memory_space<hbm>>
      %dma_start3A_65 = tpu.memref_squeeze %dma_start3A_64 : memref<1x1x16xf32, #tpu.memory_space<hbm>> -> memref<16xf32, #tpu.memory_space<hbm>>
      %dma_start3A_66 = arith.constant 0 : i32
      %dma_start3A_67 = tpu.memref_slice %arg9[%arg0, %arg1, %dma_start3A_66] : memref<2x16x16xf32, #tpu.memory_space<hbm>> -> memref<1x1x16xf32, #tpu.memory_space<hbm>>
      %dma_start3A_68 = tpu.memref_squeeze %dma_start3A_67 : memref<1x1x16xf32, #tpu.memory_space<hbm>> -> memref<16xf32, #tpu.memory_space<hbm>>
      tpu.enqueue_dma source(%arg14 : memref<16xf32, #tpu.memory_space<vmem>>) target(%dma_start3A_68 : memref<16xf32, #tpu.memory_space<hbm>>) target_semaphore(%run_scoped3A_62 : memref<!tpu.dma_semaphore, #tpu.memory_space<semaphore_mem>>)
      %dma_wait3A_69 = arith.constant 0 : i32
      %dma_wait3A_70 = tpu.memref_slice %arg9[%arg0, %arg1, %dma_wait3A_69] : memref<2x16x16xf32, #tpu.memory_space<hbm>> -> memref<1x1x16xf32, #tpu.memory_space<hbm>>
      %dma_wait3A_71 = tpu.memref_squeeze %dma_wait3A_70 : memref<1x1x16xf32, #tpu.memory_space<hbm>> -> memref<16xf32, #tpu.memory_space<hbm>>
      %dma_wait3A_72 = arith.constant 0 : i32
      %dma_wait3A_73 = tpu.memref_slice %arg9[%arg0, %arg1, %dma_wait3A_72] : memref<2x16x16xf32, #tpu.memory_space<hbm>> -> memref<1x1x16xf32, #tpu.memory_space<hbm>>
      %dma_wait3A_74 = tpu.memref_squeeze %dma_wait3A_73 : memref<1x1x16xf32, #tpu.memory_space<hbm>> -> memref<16xf32, #tpu.memory_space<hbm>>
      tpu.wait_dma2 semaphore(%run_scoped3A_62 : memref<!tpu.dma_semaphore, #tpu.memory_space<semaphore_mem>>) src(%arg14 : memref<16xf32, #tpu.memory_space<vmem>>) dst(%dma_wait3A_74 : memref<16xf32, #tpu.memory_space<hbm>>)
      tpu.yield
    }) : () -> ()
    "tpu.region"() ({
      %run_scoped3A_62 = tpu.sem_alloc : memref<!tpu.dma_semaphore, #tpu.memory_space<semaphore_mem>>
      %dma_start3A_63 = arith.constant 0 : i32
      %dma_start3A_64 = tpu.memref_slice %arg7[%mul3A_2, %dma_start3A_63] : memref<8192x32xf32, #tpu.memory_space<hbm>> -> memref<256x32xf32, #tpu.memory_space<hbm>>
      %dma_start3A_65 = arith.constant 0 : i32
      %dma_start3A_66 = tpu.memref_slice %arg7[%mul3A_2, %dma_start3A_65] : memref<8192x32xf32, #tpu.memory_space<hbm>> -> memref<256x32xf32, #tpu.memory_space<hbm>>
      tpu.enqueue_dma source(%arg11 : memref<256x32xf32, #tpu.memory_space<vmem>>) target(%dma_start3A_66 : memref<256x32xf32, #tpu.memory_space<hbm>>) target_semaphore(%run_scoped3A_62 : memref<!tpu.dma_semaphore, #tpu.memory_space<semaphore_mem>>)
      %dma_wait3A_67 = arith.constant 0 : i32
      %dma_wait3A_68 = tpu.memref_slice %arg7[%mul3A_2, %dma_wait3A_67] : memref<8192x32xf32, #tpu.memory_space<hbm>> -> memref<256x32xf32, #tpu.memory_space<hbm>>
      %dma_wait3A_69 = arith.constant 0 : i32
      %dma_wait3A_70 = tpu.memref_slice %arg7[%mul3A_2, %dma_wait3A_69] : memref<8192x32xf32, #tpu.memory_space<hbm>> -> memref<256x32xf32, #tpu.memory_space<hbm>>
      tpu.wait_dma2 semaphore(%run_scoped3A_62 : memref<!tpu.dma_semaphore, #tpu.memory_space<semaphore_mem>>) src(%arg11 : memref<256x32xf32, #tpu.memory_space<vmem>>) dst(%dma_wait3A_70 : memref<256x32xf32, #tpu.memory_space<hbm>>)
      tpu.yield
    }) : () -> ()
    "tpu.region"() ({
      %run_scoped3A_62 = tpu.sem_alloc : memref<!tpu.dma_semaphore, #tpu.memory_space<semaphore_mem>>
      tpu.enqueue_dma source(%arg5 : memref<128x16xf32, #tpu.memory_space<hbm>>) target(%arg13 : memref<128x16xf32, #tpu.memory_space<vmem>>) target_semaphore(%run_scoped3A_62 : memref<!tpu.dma_semaphore, #tpu.memory_space<semaphore_mem>>)
      tpu.wait_dma2 semaphore(%run_scoped3A_62 : memref<!tpu.dma_semaphore, #tpu.memory_space<semaphore_mem>>) src(%arg5 : memref<128x16xf32, #tpu.memory_space<hbm>>) dst(%arg13 : memref<128x16xf32, #tpu.memory_space<vmem>>)
      tpu.yield
    }) : () -> ()
    %mul3A_52 = arith.constant 512 : i32
    %mul3A_53 = arith.muli %arg1, %mul3A_52 : i32
    %mul3A_54 = arith.constant 512 : i32
    %mul3A_55 = arith.muli %arg1, %mul3A_54 : i32
    "tpu.region"() ({
      %run_scoped3A_62 = tpu.sem_alloc : memref<!tpu.dma_semaphore, #tpu.memory_space<semaphore_mem>>
      %dma_start3A_63 = arith.constant 0 : i32
      %dma_start3A_64 = tpu.memref_slice %arg15[%mul3A_55, %dma_start3A_63] : memref<8192x16xf32, #tpu.memory_space<vmem_shared>> -> memref<512x16xf32, #tpu.memory_space<vmem_shared>>
      %dma_start3A_65 = arith.constant 0 : i32
      %dma_start3A_66 = tpu.memref_slice %arg6[%mul3A_53, %dma_start3A_65] : memref<8192x16xf32, #tpu.memory_space<hbm>> -> memref<512x16xf32, #tpu.memory_space<hbm>>
      tpu.enqueue_dma source(%dma_start3A_66 : memref<512x16xf32, #tpu.memory_space<hbm>>) target(%dma_start3A_64 : memref<512x16xf32, #tpu.memory_space<vmem_shared>>) target_semaphore(%run_scoped3A_62 : memref<!tpu.dma_semaphore, #tpu.memory_space<semaphore_mem>>)
      %dma_wait3A_67 = arith.constant 0 : i32
      %dma_wait3A_68 = tpu.memref_slice %arg15[%mul3A_55, %dma_wait3A_67] : memref<8192x16xf32, #tpu.memory_space<vmem_shared>> -> memref<512x16xf32, #tpu.memory_space<vmem_shared>>
      %dma_wait3A_69 = arith.constant 0 : i32
      %dma_wait3A_70 = tpu.memref_slice %arg6[%mul3A_53, %dma_wait3A_69] : memref<8192x16xf32, #tpu.memory_space<hbm>> -> memref<512x16xf32, #tpu.memory_space<hbm>>
      tpu.wait_dma2 semaphore(%run_scoped3A_62 : memref<!tpu.dma_semaphore, #tpu.memory_space<semaphore_mem>>) src(%dma_wait3A_70 : memref<512x16xf32, #tpu.memory_space<hbm>>) dst(%dma_wait3A_68 : memref<512x16xf32, #tpu.memory_space<vmem_shared>>)
      tpu.yield
    }) : () -> ()
    %barrier3A = arith.constant 0 : index
    tpu.barrier barrier_id(%barrier3A)
    %run_scoped3A = arith.constant 0 : i32
    "tpu.region"() ({
      %run_scoped3A_62 = tpu.sem_alloc : memref<!tpu.dma_semaphore, #tpu.memory_space<semaphore_mem>>
      %dma_start3A_63 = arith.constant 0 : i32
      %dma_start3A_64 = tpu.memref_slice %arg10[%run_scoped3A, %dma_start3A_63] : memref<2x128xi32, #tpu.memory_space<vmem>> -> memref<1x128xi32, #tpu.memory_space<vmem>>
      %dma_start3A_65 = tpu.memref_squeeze %dma_start3A_64 : memref<1x128xi32, #tpu.memory_space<vmem>> -> memref<128xi32, #tpu.memory_space<vmem>>
      %dma_start3A_66 = arith.constant 0 : i32
      %dma_start3A_67 = arith.constant 0 : i32
      %dma_start3A_68 = tpu.memref_slice %arg15[%dma_start3A_66, %dma_start3A_67] : memref<8192x16xf32, #tpu.memory_space<vmem_shared>> -> memref<8192x16xf32, #tpu.memory_space<vmem_shared>>
      tpu.enqueue_indirect_dma source(%arg13 : memref<128x16xf32, #tpu.memory_space<vmem>>) target(%dma_start3A_68 : memref<8192x16xf32, #tpu.memory_space<vmem_shared>>) offsets(%dma_start3A_65 : memref<128xi32, #tpu.memory_space<vmem>>) semaphore(%run_scoped3A_62 : memref<!tpu.dma_semaphore, #tpu.memory_space<semaphore_mem>>) {add = true}
      %dma_wait3A_69 = arith.constant 0 : i32
      %dma_wait3A_70 = tpu.memref_slice %arg10[%run_scoped3A, %dma_wait3A_69] : memref<2x128xi32, #tpu.memory_space<vmem>> -> memref<1x128xi32, #tpu.memory_space<vmem>>
      %dma_wait3A_71 = tpu.memref_squeeze %dma_wait3A_70 : memref<1x128xi32, #tpu.memory_space<vmem>> -> memref<128xi32, #tpu.memory_space<vmem>>
      %dma_wait3A_72 = arith.constant 0 : i32
      %dma_wait3A_73 = arith.constant 0 : i32
      %dma_wait3A_74 = tpu.memref_slice %arg15[%dma_wait3A_72, %dma_wait3A_73] : memref<8192x16xf32, #tpu.memory_space<vmem_shared>> -> memref<8192x16xf32, #tpu.memory_space<vmem_shared>>
      tpu.wait_indirect_dma semaphore(%run_scoped3A_62 : memref<!tpu.dma_semaphore, #tpu.memory_space<semaphore_mem>>) src(%arg13 : memref<128x16xf32, #tpu.memory_space<vmem>>) dst(%dma_wait3A_74 : memref<8192x16xf32, #tpu.memory_space<vmem_shared>>)
      tpu.yield
    }) : () -> ()
    %run_scoped3A_56 = arith.constant 1 : i32
    "tpu.region"() ({
      %run_scoped3A_62 = tpu.sem_alloc : memref<!tpu.dma_semaphore, #tpu.memory_space<semaphore_mem>>
      %dma_start3A_63 = arith.constant 0 : i32
      %dma_start3A_64 = tpu.memref_slice %arg10[%run_scoped3A_56, %dma_start3A_63] : memref<2x128xi32, #tpu.memory_space<vmem>> -> memref<1x128xi32, #tpu.memory_space<vmem>>
      %dma_start3A_65 = tpu.memref_squeeze %dma_start3A_64 : memref<1x128xi32, #tpu.memory_space<vmem>> -> memref<128xi32, #tpu.memory_space<vmem>>
      %dma_start3A_66 = arith.constant 0 : i32
      %dma_start3A_67 = arith.constant 0 : i32
      %dma_start3A_68 = tpu.memref_slice %arg15[%dma_start3A_66, %dma_start3A_67] : memref<8192x16xf32, #tpu.memory_space<vmem_shared>> -> memref<8192x16xf32, #tpu.memory_space<vmem_shared>>
      tpu.enqueue_indirect_dma source(%arg13 : memref<128x16xf32, #tpu.memory_space<vmem>>) target(%dma_start3A_68 : memref<8192x16xf32, #tpu.memory_space<vmem_shared>>) offsets(%dma_start3A_65 : memref<128xi32, #tpu.memory_space<vmem>>) semaphore(%run_scoped3A_62 : memref<!tpu.dma_semaphore, #tpu.memory_space<semaphore_mem>>) {add = true}
      %dma_wait3A_69 = arith.constant 0 : i32
      %dma_wait3A_70 = tpu.memref_slice %arg10[%run_scoped3A_56, %dma_wait3A_69] : memref<2x128xi32, #tpu.memory_space<vmem>> -> memref<1x128xi32, #tpu.memory_space<vmem>>
      %dma_wait3A_71 = tpu.memref_squeeze %dma_wait3A_70 : memref<1x128xi32, #tpu.memory_space<vmem>> -> memref<128xi32, #tpu.memory_space<vmem>>
      %dma_wait3A_72 = arith.constant 0 : i32
      %dma_wait3A_73 = arith.constant 0 : i32
      %dma_wait3A_74 = tpu.memref_slice %arg15[%dma_wait3A_72, %dma_wait3A_73] : memref<8192x16xf32, #tpu.memory_space<vmem_shared>> -> memref<8192x16xf32, #tpu.memory_space<vmem_shared>>
      tpu.wait_indirect_dma semaphore(%run_scoped3A_62 : memref<!tpu.dma_semaphore, #tpu.memory_space<semaphore_mem>>) src(%arg13 : memref<128x16xf32, #tpu.memory_space<vmem>>) dst(%dma_wait3A_74 : memref<8192x16xf32, #tpu.memory_space<vmem_shared>>)
      tpu.yield
    }) : () -> ()
    %barrier3A_57 = arith.constant 0 : index
    tpu.barrier barrier_id(%barrier3A_57)
    %mul3A_58 = arith.constant 512 : i32
    %mul3A_59 = arith.muli %arg1, %mul3A_58 : i32
    %mul3A_60 = arith.constant 512 : i32
    %mul3A_61 = arith.muli %arg1, %mul3A_60 : i32
    "tpu.region"() ({
      %run_scoped3A_62 = tpu.sem_alloc : memref<!tpu.dma_semaphore, #tpu.memory_space<semaphore_mem>>
      %dma_start3A_63 = arith.constant 0 : i32
      %dma_start3A_64 = tpu.memref_slice %arg8[%arg0, %mul3A_61, %dma_start3A_63] : memref<2x8192x16xf32, #tpu.memory_space<hbm>> -> memref<1x512x16xf32, #tpu.memory_space<hbm>>
      %dma_start3A_65 = tpu.memref_squeeze %dma_start3A_64 : memref<1x512x16xf32, #tpu.memory_space<hbm>> -> memref<512x16xf32, #tpu.memory_space<hbm>>
      %dma_start3A_66 = arith.constant 0 : i32
      %dma_start3A_67 = tpu.memref_slice %arg15[%mul3A_59, %dma_start3A_66] : memref<8192x16xf32, #tpu.memory_space<vmem_shared>> -> memref<512x16xf32, #tpu.memory_space<vmem_shared>>
      tpu.enqueue_dma source(%dma_start3A_67 : memref<512x16xf32, #tpu.memory_space<vmem_shared>>) target(%dma_start3A_65 : memref<512x16xf32, #tpu.memory_space<hbm>>) target_semaphore(%run_scoped3A_62 : memref<!tpu.dma_semaphore, #tpu.memory_space<semaphore_mem>>)
      %dma_wait3A_68 = arith.constant 0 : i32
      %dma_wait3A_69 = tpu.memref_slice %arg8[%arg0, %mul3A_61, %dma_wait3A_68] : memref<2x8192x16xf32, #tpu.memory_space<hbm>> -> memref<1x512x16xf32, #tpu.memory_space<hbm>>
      %dma_wait3A_70 = tpu.memref_squeeze %dma_wait3A_69 : memref<1x512x16xf32, #tpu.memory_space<hbm>> -> memref<512x16xf32, #tpu.memory_space<hbm>>
      %dma_wait3A_71 = arith.constant 0 : i32
      %dma_wait3A_72 = tpu.memref_slice %arg15[%mul3A_59, %dma_wait3A_71] : memref<8192x16xf32, #tpu.memory_space<vmem_shared>> -> memref<512x16xf32, #tpu.memory_space<vmem_shared>>
      tpu.wait_dma2 semaphore(%run_scoped3A_62 : memref<!tpu.dma_semaphore, #tpu.memory_space<semaphore_mem>>) src(%dma_wait3A_72 : memref<512x16xf32, #tpu.memory_space<vmem_shared>>) dst(%dma_wait3A_70 : memref<512x16xf32, #tpu.memory_space<hbm>>)
      tpu.yield
    }) : () -> ()
    return
  }
}

module attributes {stable_mosaic.version = 14 : i64} {
  func.func @_argmin_body(%arg0: i32, %arg1: memref<32x1024xf32, #tpu.memory_space<vmem>>, %arg2: memref<8192x32xf32, #tpu.memory_space<vmem>>, %arg3: memref<1x1x1024xi32, #tpu.memory_space<vmem>>) attributes {dimension_semantics = [#tpu.dimension_semantics<arbitrary>], iteration_bounds = array<i64: 8>, scalar_prefetch = 0 : i64, scratch_operands = 0 : i64, tpu.core_type = #tpu.core_type<tc>, window_params = [{transform_indices = @transform_0, window_bounds = array<i64: 32, 1024>}, {pipeline_mode = #tpu.pipeline_mode<synchronous>, transform_indices = @transform_1, window_bounds = array<i64: 8192, 32>}, {transform_indices = @transform_2, window_bounds = array<i64: 1, 1, 1024>}]} {
    %get3A = arith.constant 0 : index
    %get3A_0 = arith.constant 0 : index
    %get3A_1 = vector.load %arg1[%get3A, %get3A_0] : memref<32x1024xf32, #tpu.memory_space<vmem>>, vector<32x1024xf32>
    %mul3A = arith.mulf %get3A_1, %get3A_1 : vector<32x1024xf32>
    %reduce_sum3A = arith.constant dense<0.000000e+00> : vector<1024xf32>
    %reduce_sum3A_2 = vector.multi_reduction <add>, %mul3A, %reduce_sum3A [0] : vector<32x1024xf32> to vector<1024xf32>
    %broadcast_in_dim3A = vector.shape_cast %reduce_sum3A_2 : vector<1024xf32> to vector<1x1024xf32>
    %convert_element_type3A = arith.truncf %get3A_1 : vector<32x1024xf32> to vector<32x1024xbf16>
    %convert_element_type3A_3 = arith.extf %convert_element_type3A : vector<32x1024xbf16> to vector<32x1024xf32>
    %broadcast_in_dim3A_4 = arith.constant 0x7F800000 : f32
    %broadcast_in_dim3A_5 = vector.broadcast %broadcast_in_dim3A_4 : f32 to vector<1x1024xf32>
    %broadcast_in_dim3A_6 = arith.constant 0 : i32
    %broadcast_in_dim3A_7 = vector.broadcast %broadcast_in_dim3A_6 : i32 to vector<1x1024xi32>
    %scan3A = arith.constant 0 : i32
    %scan3A_8 = arith.constant 8 : i32
    %scan3A_9 = arith.addi %scan3A, %scan3A_8 : i32
    %scan3A_10 = arith.constant 1 : i32
    %scan3A_11:2 = scf.for %scan3A_16 = %scan3A to %scan3A_9 step %scan3A_10 iter_args(%scan3A_17 = %broadcast_in_dim3A_5, %scan3A_18 = %broadcast_in_dim3A_7) -> (vector<1x1024xf32>, vector<1x1024xi32>)  : i32 {
      %mul3A_19 = arith.constant 1024 : i32
      %mul3A_20 = arith.muli %scan3A_16, %mul3A_19 : i32
      %get3A_21 = arith.index_cast %mul3A_20 : i32 to index
      %get3A_22 = arith.constant 0 : index
      %get3A_23 = vector.load %arg2[%get3A_21, %get3A_22] : memref<8192x32xf32, #tpu.memory_space<vmem>>, vector<1024x32xf32>
      %mul3A_24 = arith.mulf %get3A_23, %get3A_23 : vector<1024x32xf32>
      %reduce_sum3A_25 = arith.constant dense<0.000000e+00> : vector<1024xf32>
      %reduce_sum3A_26 = vector.multi_reduction <add>, %mul3A_24, %reduce_sum3A_25 [1] : vector<1024x32xf32> to vector<1024xf32>
      %broadcast_in_dim3A_27 = vector.shape_cast %reduce_sum3A_26 : vector<1024xf32> to vector<1024x1xf32>
      %dot_general3A = arith.constant dense<0.000000e+00> : vector<1024x1024xf32>
      %dot_general3A_28 = tpu.matmul %get3A_23, %convert_element_type3A_3, %dot_general3A {dimension_numbers = #tpu.dot_dimension_numbers<[1], [0], [0], [1], [0, 0, 1, 1], [], []>, transpose_lhs_hint = false} : vector<1024x32xf32>, vector<32x1024xf32>, vector<1024x1024xf32> -> vector<1024x1024xf32>
      %add3A = vector.broadcast %broadcast_in_dim3A : vector<1x1024xf32> to vector<1024x1024xf32>
      %add3A_29 = vector.broadcast %broadcast_in_dim3A_27 : vector<1024x1xf32> to vector<1024x1024xf32>
      %add3A_30 = arith.addf %add3A, %add3A_29 : vector<1024x1024xf32>
      %mul3A_31 = arith.constant 2.000000e+00 : f32
      %mul3A_32 = vector.broadcast %mul3A_31 : f32 to vector<1024x1024xf32>
      %mul3A_33 = arith.mulf %mul3A_32, %dot_general3A_28 : vector<1024x1024xf32>
      %sub3A = arith.subf %add3A_30, %mul3A_33 : vector<1024x1024xf32>
      %reduce_min3A = arith.constant dense<0x7F800000> : vector<1024xf32>
      %reduce_min3A_34 = vector.multi_reduction <minimumf>, %sub3A, %reduce_min3A [0] : vector<1024x1024xf32> to vector<1024xf32>
      %broadcast_in_dim3A_35 = vector.shape_cast %reduce_min3A_34 : vector<1024xf32> to vector<1x1024xf32>
      %iota3A = tpu.iota {dimensions = array<i32: 0>} : vector<1024x1024xi32>
      %mul3A_36 = arith.constant 1024 : i32
      %mul3A_37 = arith.muli %scan3A_16, %mul3A_36 : i32
      %add3A_38 = vector.broadcast %mul3A_37 : i32 to vector<1024x1024xi32>
      %add3A_39 = arith.addi %iota3A, %add3A_38 : vector<1024x1024xi32>
      %eq3A = vector.broadcast %broadcast_in_dim3A_35 : vector<1x1024xf32> to vector<1024x1024xf32>
      %eq3A_40 = arith.cmpf oeq, %sub3A, %eq3A : vector<1024x1024xf32>
      %jit3A = arith.constant 8192 : i32
      %broadcast_in_dim3A_41 = vector.broadcast %jit3A : i32 to vector<1024x1024xi32>
      %select_n3A = arith.select %eq3A_40, %add3A_39, %broadcast_in_dim3A_41 : vector<1024x1024xi1>, vector<1024x1024xi32>
      %reduce_min3A_42 = arith.constant dense<2147483647> : vector<1024xi32>
      %reduce_min3A_43 = vector.multi_reduction <minsi>, %select_n3A, %reduce_min3A_42 [0] : vector<1024x1024xi32> to vector<1024xi32>
      %broadcast_in_dim3A_44 = vector.shape_cast %reduce_min3A_43 : vector<1024xi32> to vector<1x1024xi32>
      %lt3A = arith.cmpf olt, %broadcast_in_dim3A_35, %scan3A_17 : vector<1x1024xf32>
      %select_n3A_45 = arith.select %lt3A, %broadcast_in_dim3A_35, %scan3A_17 : vector<1x1024xi1>, vector<1x1024xf32>
      %select_n3A_46 = arith.select %lt3A, %broadcast_in_dim3A_44, %scan3A_18 : vector<1x1024xi1>, vector<1x1024xi32>
      scf.yield %select_n3A_45, %select_n3A_46 : vector<1x1024xf32>, vector<1x1024xi32>
    }
    %scan3A_12 = arith.constant 8 : i32
    %reshape3A = vector.shape_cast %scan3A_11#1 : vector<1x1024xi32> to vector<1x1x1024xi32>
    %swap3A = arith.constant 0 : index
    %swap3A_13 = arith.constant 0 : index
    %swap3A_14 = arith.constant 0 : index
    %swap3A_15 = vector.load %arg3[%swap3A, %swap3A_13, %swap3A_14] : memref<1x1x1024xi32, #tpu.memory_space<vmem>>, vector<1x1x1024xi32>
    tpu.vector_store %arg3[%swap3A, %swap3A_13, %swap3A_14], %reshape3A {strides = array<i32>} : memref<1x1x1024xi32, #tpu.memory_space<vmem>>, vector<1x1x1024xi32>,
    return
  }
  func.func @transform_0(%arg0: i32) -> (i32, i32) {
    %c0_i32 = arith.constant 0 : i32
    %c0_i32_0 = arith.constant 0 : i32
    return %c0_i32, %arg0 : i32, i32
  }
  func.func @transform_1(%arg0: i32) -> (i32, i32) {
    %c0_i32 = arith.constant 0 : i32
    %c0_i32_0 = arith.constant 0 : i32
    %c0_i32_1 = arith.constant 0 : i32
    return %c0_i32, %c0_i32_0 : i32, i32
  }
  func.func @transform_2(%arg0: i32) -> (i32, i32, i32) {
    %c0_i32 = arith.constant 0 : i32
    %c0_i32_0 = arith.constant 0 : i32
    %c0_i32_1 = arith.constant 0 : i32
    return %arg0, %c0_i32, %c0_i32_0 : i32, i32, i32
  }
}

module attributes {stable_mosaic.version = 14 : i64} {
  func.func @_final_body(%arg0: memref<2x8192x16xf32, #tpu.memory_space<vmem>>, %arg1: memref<2x16x16xf32, #tpu.memory_space<vmem>>, %arg2: memref<1x1xf32, #tpu.memory_space<smem>>, %arg3: memref<1x1xf32, #tpu.memory_space<smem>>) attributes {dimension_semantics = [], scalar_prefetch = 0 : i64, scratch_operands = 0 : i64, tpu.core_type = #tpu.core_type<tc>} {
    %get3A = arith.constant 0 : index
    %get3A_0 = arith.constant 0 : index
    %get3A_1 = arith.constant 0 : index
    %get3A_2 = vector.load %arg0[%get3A, %get3A_0, %get3A_1] : memref<2x8192x16xf32, #tpu.memory_space<vmem>>, vector<1x8192x16xf32>
    %get3A_3 = vector.shape_cast %get3A_2 : vector<1x8192x16xf32> to vector<8192x16xf32>
    %get3A_4 = arith.constant 1 : index
    %get3A_5 = arith.constant 0 : index
    %get3A_6 = arith.constant 0 : index
    %get3A_7 = vector.load %arg0[%get3A_4, %get3A_5, %get3A_6] : memref<2x8192x16xf32, #tpu.memory_space<vmem>>, vector<1x8192x16xf32>
    %get3A_8 = vector.shape_cast %get3A_7 : vector<1x8192x16xf32> to vector<8192x16xf32>
    %add3A = arith.addf %get3A_3, %get3A_8 : vector<8192x16xf32>
    %reduce_sum3A = arith.constant dense<0.000000e+00> : vector<8192xf32>
    %reduce_sum3A_9 = vector.multi_reduction <add>, %add3A, %reduce_sum3A [1] : vector<8192x16xf32> to vector<8192xf32>
    %broadcast_in_dim3A = vector.shape_cast %reduce_sum3A_9 : vector<8192xf32> to vector<8192x1xf32>
    %mul3A = arith.constant 7.62939453E-6 : f32
    %mul3A_10 = vector.broadcast %mul3A : f32 to vector<8192x1xf32>
    %mul3A_11 = arith.mulf %broadcast_in_dim3A, %mul3A_10 : vector<8192x1xf32>
    %add3A_12 = arith.constant 1.000000e-10 : f32
    %add3A_13 = vector.broadcast %add3A_12 : f32 to vector<8192x1xf32>
    %add3A_14 = arith.addf %mul3A_11, %add3A_13 : vector<8192x1xf32>
    %log3A = math.log %add3A_14 : vector<8192x1xf32>
    %mul3A_15 = arith.mulf %mul3A_11, %log3A : vector<8192x1xf32>
    %reduce_sum3A_16 = vector.shape_cast %mul3A_15 : vector<8192x1xf32> to vector<1x8192x1xf32>
    %reduce_sum3A_17 = arith.constant dense<0.000000e+00> : vector<1xf32>
    %reduce_sum3A_18 = vector.multi_reduction <add>, %reduce_sum3A_16, %reduce_sum3A_17 [1, 2] : vector<1x8192x1xf32> to vector<1xf32>
    %reduce_sum3A_19 = vector.shape_cast %reduce_sum3A_18 : vector<1xf32> to vector<1x1x1xf32>
    %reduce_sum3A_20 = vector.extract %reduce_sum3A_19[0, 0, 0] : f32 from vector<1x1x1xf32>
    %neg3A = arith.constant 0.000000e+00 : f32
    %neg3A_21 = arith.subf %neg3A, %reduce_sum3A_20 : f32
    %exp3A = math.exp %neg3A_21 : f32
    %swap3A = arith.constant 0 : index
    %swap3A_22 = arith.constant 0 : index
    %swap3A_23 = memref.load %arg3[%swap3A, %swap3A_22] : memref<1x1xf32, #tpu.memory_space<smem>>
    memref.store %exp3A, %arg3[%swap3A, %swap3A_22] : memref<1x1xf32, #tpu.memory_space<smem>>
    %get3A_24 = arith.constant 0 : index
    %get3A_25 = arith.constant 0 : index
    %get3A_26 = arith.constant 0 : index
    %get3A_27 = vector.load %arg1[%get3A_24, %get3A_25, %get3A_26] : memref<2x16x16xf32, #tpu.memory_space<vmem>>, vector<2x16x16xf32>
    %reduce_sum3A_28 = vector.shape_cast %get3A_27 : vector<2x16x16xf32> to vector<1x2x16x16xf32>
    %reduce_sum3A_29 = arith.constant dense<0.000000e+00> : vector<1xf32>
    %reduce_sum3A_30 = vector.multi_reduction <add>, %reduce_sum3A_28, %reduce_sum3A_29 [1, 2, 3] : vector<1x2x16x16xf32> to vector<1xf32>
    %reduce_sum3A_31 = vector.shape_cast %reduce_sum3A_30 : vector<1xf32> to vector<1x1x1x1xf32>
    %reduce_sum3A_32 = vector.extract %reduce_sum3A_31[0, 0, 0, 0] : f32 from vector<1x1x1x1xf32>
    %mul3A_33 = arith.constant 3.81469727E-6 : f32
    %mul3A_34 = arith.mulf %reduce_sum3A_32, %mul3A_33 : f32
    %mul3A_35 = arith.constant 2.500000e-01 : f32
    %mul3A_36 = arith.mulf %mul3A_34, %mul3A_35 : f32
    %add3A_37 = arith.addf %mul3A_36, %mul3A_34 : f32
    %swap3A_38 = arith.constant 0 : index
    %swap3A_39 = arith.constant 0 : index
    %swap3A_40 = memref.load %arg2[%swap3A_38, %swap3A_39] : memref<1x1xf32, #tpu.memory_space<smem>>
    memref.store %add3A_37, %arg2[%swap3A_38, %swap3A_39] : memref<1x1xf32, #tpu.memory_space<smem>>
    return
  }
}

</mosaic_0001>

<sc_bundles>
// kernel: kernel.5.cloned.1.call-start
scs
__scs_entry_jumppad:
0x0: {  	(pc) =	sbr.rel $0x88, $3  }
0x1: {  	(tag) =	ssettag $0x0;
	lr =	simm.s32 $0x1  }
0x2: {  	[smem:$0x3F9F] =	sst lr;
	_ =	strace $0xD0000000  }
0x3: {  	_ = 	snop  }
0x4: {  	_ = 	snop  }
0x5: {  	_ = 	snop  }
0x6: {  	_ = 	snop  }
0x7: {  	_ = 	snop  }
__scs_overlays_trampoline_lowered:
0x8: {  	[smem:$0x3FAE] =	sst s0  }
0x9: {  	[smem:$0x3FAF] =	sst s1  }
0xa: {  	[smem:$0x3FB0] =	sst s2  }
0xb: {  	[smem:$0x3FB1] =	sst s3  }
0xc: {  	[smem:$0x3FB2] =	sst s4  }
0xd: {  	[smem:$0x3FB3] =	sst s5  }
0xe: {  	[smem:$0x3FB4] =	sst s6  }
0xf: {  	[smem:$0x3FB5] =	sst s7  }
0x10: {  	[smem:$0x3FB6] =	sst s8  }
0x11: {  	[smem:$0x3FB7] =	sst s9;
	s0 =	simm.s32 @!p0 $0x0  }
0x12: {  	s1 =	sld [smem:$0x3F9D];
	s0 =	simm.s32 @p0 $0x1  }
0x13: {  	[smem:$0x3FB8] =	sst s0;
	s0 =	simm.s32 @!p1 $0x0  }
0x14: {  	s2 =	sld [smem:$0x3F9C];
	s0 =	simm.s32 @p1 $0x1  }
0x15: {  	[smem:$0x3FB9] =	sst s0;
	s0 =	simm.s32 @!p2 $0x0  }
0x16: {  	s3 =	sld [smem:$0x3FDB];
	s0 =	simm.s32 @p2 $0x1  }
0x17: {  	s4 =	simm.s32 $0x1BF5;
	[smem:$0x3FBB] =	sst s0  }
0x18: {  	s0 =	sld [smem:$0x3F9E];
	_ =	swait.ge [sflag:s4], $0x0  }
0x19: {  	s7 =	sld [smem:$0x3F9F]  }
0x1a: {  	s8 =	sadd.s32 $0xFFFFE003, lr  }
0x1b: {  	s9 =	sadd.s32 $0xFFFFFEF7, lr;
	s5 =	simm.s32 $0xFFFFFFFF;
	p2 =	slt.u32 s8, $0xFFFFF086  }
0x1c: {  	p1 =	slt.u32 s9, $0xF7A;
	s5 =	simm.s32 @!p2 $0x0  }
0x1d: {  	s5 =	simm.s32 @p1 $0x1;
	p0 =	seq.s32 s7, s2  }
0x1e: {  	s7 =	smul.u32 @!p0 $0xF7A, s2;
	p2 =	seq.s32 @!p0 s5, $0x0  }
0x1f: {  	s9 =	smul.u32 $0xF7A, s1;
	s8 =	simm.s32 @!p0 $0x1BF5;
	p2 =	por !p2, p0  }
0x20: {  	[sflag:s8] =	ssyncset.s32 @!p0 $0xFFFFF086;
	s6 =	sadd.s32 @!p0 s3, s7;
	s7 =	simm.s32 @!p0 $0x108  }
0x21: {  	s3 =	sadd.s32 s3, s9;
	s6 =	sadd.s32 @!p0 $0x88, s6;
	s7 =	simm.s32 @p2 $0x1082  }
0x22: {  	[simem:s7], [sflag:s8] =	dma.local @!p0 [hbm:s6], $0xF7A  }
0x23: {  	s9 =	sor.u32 $0xD0000000, s2;
	s6 =	simm.s32 $0x108;
	_ =	swait.ge @!p0 [sflag:s8], $0x0  }
0x24: {  	s3 =	sadd.s32 $0x88, s3;
	s6 =	simm.s32 @!p1 $0x1082;
	[sflag:s4] =	ssyncset.s32 $0xFFFFF086  }
0x25: {  	[simem:s6], [sflag:s4] =	dma.local [hbm:s3], $0xF7A  }
0x26: {  	[smem:$0x3F9F] =	sst s1;
	(tag) =	ssettag s2;
	_ =	strace s9  }
0x27: {  	s1 =	sld [smem:$0x3FAF]  }
0x28: {  	s2 =	sld [smem:$0x3FB0]  }
0x29: {  	s4 =	sld [smem:$0x3FB2]  }
0x2a: {  	p0 =	seq.s32 s5, $0x0;
	s5 =	sld [smem:$0x3FB3]  }
0x2b: {  	s6 =	sld [smem:$0x3FB4]  }
0x2c: {  	s7 =	sld [smem:$0x3FB5]  }
0x2d: {  	s3 =	simm.s32 $0x108;
	s8 =	sld [smem:$0x3FB6]  }
0x2e: {  	s3 =	simm.s32 @!p0 $0x1082;
	s9 =	sld [smem:$0x3FB7]  }
0x2f: {  	lr =	sadd.s32 s0, s3;
	s0 =	sld [smem:$0x3FAE]  }
0x30: {  	s3 =	sld [smem:$0x3FB1]  }
0x31: {  	[smem:$0x3FBA] =	sst s10  }
0x32: {  	s10 =	sld [smem:$0x3FB8];
	_ =	sdelay $0x3  }
0x33: {  	p0 =	seq.s32 s10, $0x1;
	s10 =	sld [smem:$0x3FBA];
	_ =	sdelay $0x3  }
0x34: {  	[smem:$0x3FBA] =	sst s10  }
0x35: {  	s10 =	sld [smem:$0x3FB9];
	_ =	sdelay $0x3  }
0x36: {  	p1 =	seq.s32 s10, $0x1;
	s10 =	sld [smem:$0x3FBA];
	_ =	sdelay $0x3  }
0x37: {  	[smem:$0x3FBA] =	sst s10  }
0x38: {  	s10 =	sld [smem:$0x3FBB]  }
0x39: {  	_ = 	snop;
	(pc) =	sbr.ind lr, $3  }
0x3a: {  	_ = 	snop  }
0x3b: {  	_ = 	snop  }
0x3c: {  	p2 =	seq.s32 s10, $0x1;
	s10 =	sld [smem:$0x3FBA]  }
0x3d: {  	_ =	shalt  }
0x3e: {  	_ =	shalt  }
0x3f: {  	_ =	shalt  }
0x40: {  	_ =	shalt  }
0x41: {  	_ =	shalt  }
0x42: {  	_ =	shalt  }
0x43: {  	_ =	shalt  }
0x44: {  	_ =	shalt  }
0x45: {  	_ =	shalt  }
0x46: {  	_ =	shalt  }
0x47: {  	_ =	shalt  }
0x48: {  	_ =	shalt  }
0x49: {  	_ =	shalt  }
0x4a: {  	_ =	shalt  }
0x4b: {  	_ =	shalt  }
0x4c: {  	_ =	shalt  }
0x4d: {  	_ =	shalt  }
0x4e: {  	_ =	shalt  }
0x4f: {  	_ =	shalt  }
0x50: {  	_ =	shalt  }
0x51: {  	_ =	shalt  }
0x52: {  	_ =	shalt  }
0x53: {  	_ =	shalt  }
0x54: {  	_ =	shalt  }
0x55: {  	_ =	shalt  }
0x56: {  	_ =	shalt  }
0x57: {  	_ =	shalt  }
0x58: {  	_ =	shalt  }
0x59: {  	_ =	shalt  }
0x5a: {  	_ =	shalt  }
0x5b: {  	_ =	shalt  }
0x5c: {  	_ =	shalt  }
0x5d: {  	_ =	shalt  }
0x5e: {  	_ =	shalt  }
0x5f: {  	_ =	shalt  }
0x60: {  	_ =	shalt  }
0x61: {  	_ =	shalt  }
0x62: {  	_ =	shalt  }
0x63: {  	_ =	shalt  }
0x64: {  	_ =	shalt  }
0x65: {  	_ =	shalt  }
0x66: {  	_ =	shalt  }
0x67: {  	_ =	shalt  }
0x68: {  	_ =	shalt  }
0x69: {  	_ =	shalt  }
0x6a: {  	_ =	shalt  }
0x6b: {  	_ =	shalt  }
0x6c: {  	_ =	shalt  }
0x6d: {  	_ =	shalt  }
0x6e: {  	_ =	shalt  }
0x6f: {  	_ =	shalt  }
0x70: {  	_ =	shalt  }
0x71: {  	_ =	shalt  }
0x72: {  	_ =	shalt  }
0x73: {  	_ =	shalt  }
0x74: {  	_ =	shalt  }
0x75: {  	_ =	shalt  }
0x76: {  	_ =	shalt  }
0x77: {  	_ =	shalt  }
0x78: {  	_ =	shalt  }
0x79: {  	_ =	shalt  }
0x7a: {  	_ =	shalt  }
0x7b: {  	_ =	shalt  }
0x7c: {  	_ =	shalt  }
0x7d: {  	_ =	shalt  }
0x7e: {  	_ =	shalt  }
0x7f: {  	_ =	shalt  }
0x80: {  	_ =	shalt  }
0x81: {  	_ =	shalt  }
0x82: {  	_ =	shalt  }
0x83: {  	_ =	shalt  }
0x84: {  	_ =	shalt  }
0x85: {  	_ =	shalt  }
0x86: {  	_ =	shalt  }
0x87: {  	_ =	shalt  }
.Lfunc_end0:
.L_simem_size_0:
called_computation_lowered:
.L_overlay_start_0:
0x88: {  	s2 =	sld [smem:$0x3FD9]  }
0x89: {  	s3 =	sld [smem:$0x3FFE];
	_ =	sdelay $0x1  }
0x8a: {  	s1 =	srdreg.scid  }
0x8b: {  	s0 =	sand.u32 $0x1, s1  }
0x8c: {  	s14 =	sshll.u32 s0, $0xA;
	s2 =	sadd.s32 s3, s2  }
0x8d: {  	s2 =	sadd.s32 s2, s14  }
0x8e: {  	[smem:$0x3FC6] =	sst s2  }
0x8f: {  	_ = 	snop  }
0x90: {  	s2 =	sld [smem:$0x3FD0];
	_ =	sdelay $0x2  }
0x91: {  	s15 =	simm.s32 $0xA;
	s4 =	simm.s32 $0x10  }
0x92: {  	[smem:s4], [sflag:s15] =	dma.local [hbm:s2], $0x1  }
0x93: {  	_ =	swait.eq [sflag:s15], $0x1  }
0x94: {  	[sflag:s15] =	ssyncset.done $0x0  }
0x95: {  	[sflag:s15] =	ssyncadd.s32 $0xFFFFFFFF  }
0x96: {  	s16 =	sld [smem:$0x11];
	(tm) =	ssettm $0x1  }
0x97: {  	s17 =	sld [smem:$0x3FFB];
	_ =	sdelay $0x3  }
0x98: {  	_ =	strace s17  }
0x99: {  	s3 =	sld [smem:$0x3FFC];
	_ =	sdelay $0x3  }
0x9a: {  	_ =	strace s3  }
0x9b: {  	s3 =	sld [smem:$0x3FFD];
	_ =	sdelay $0x3  }
0x9c: {  	_ =	strace s3  }
0x9d: {  	_ =	strace $0x8FFFFFFF  }
0x9e: {  	s18 =	sld [smem:$0x3FDB];
	_ =	sdelay $0x1  }
0x9f: {  	s19 =	simm.s32 $_scs_section_size  }
0xa0: {  	s5 =	simm.s32 $_size__tile_overlayer_lowered;
	s6 =	simm.s32 $_tile_overlayer_lowered  }
0xa1: {  	s22 =	simm.s32 $0x1BFF;
	s21 =	sshll.u32 s6, $0x1;
	s3 =	sadd.s32 s19, s18  }
0xa2: {  	s7 =	simm.s32 $0x0;
	s20 =	sshll.u32 s5, $0x1;
	s5 =	sadd.s32 s21, s3  }
0xa3: {  	[timem:s7], [sflag:s22] =	dma.local [hbm:s5], s20  }
0xa4: {  	_ =	swait.ge [sflag:s22], s20  }
0xa5: {  	s4 =	ssub.s32 $0x0, s20;
	[sflag:s22] =	ssyncset.done $0x0  }
0xa6: {  	[sflag:s22] =	ssyncadd.s32 s4;
	_ =	sdelay $0x1  }
0xa7: {  	s23 =	simm.s32 $0x1B8B  }
0xa8: {  	_ =	swait.ge [sflag:s23], $0x1  }
0xa9: {  	[sflag:s23] =	ssyncset.done $0x0  }
0xaa: {  	s25 =	simm.s32 $0x1B8E;
	s24 =	sld [smem:$0x3FFE];
	[sflag:s23] =	ssyncadd.s32 $0xFFFFFFFF  }
0xab: {  	s26 =	simm.s32 $execute0_lowered;
	[smem:$0x3FD2] =	sst s25  }
0xac: {  	s5 =	sshll.u32 s26, $0x1;
	_ =	strace $0x80000046;
	[dreg:$0x1] =	wrdreg $0xFFFFFFFF  }
0xad: {  	s28 =	simm.s32 $_size_execute0_lowered;
	s3 =	sadd.s32 s3, s5;
	[dreg:$0x0] =	wrdreg $0x0  }
0xae: {  	s5 =	sshll.u32 s28, $0x1;
	[dreg:$0x2] =	wrdreg s3  }
0xaf: {  	[dreg:$0x3] =	wrdreg s5  }
0xb0: {  	[dreg:$0x4] =	wrdreg $0xC0  }
0xb1: {  	_ =	task [dreg:s7], $0x5FFFF  }
0xb2: {  	[dreg:$0x1] =	wrdreg $0xFFFFFFFF  }
0xb3: {  	[dreg:$0x0] =	wrdreg $0x60  }
0xb4: {  	[dreg:$0x2] =	wrdreg s16  }
0xb5: {  	[dreg:$0x3] =	wrdreg s24  }
0xb6: {  	[dreg:$0x4] =	wrdreg $0x49100  }
0xb7: {  	[dreg:$0x5] =	wrdreg $0x9  }
0xb8: {  	_ =	task.clear_ibuf [dreg:s7], $0x6FFFF;
	_ =	strace $0x90000046  }
0xb9: {  	s29 =	simm.s32 $0x9;
	_ =	strace $0x80000048  }
0xba: {  	_ =	swait.ge [sflag:s29], $0x1  }
0xbb: {  	[sflag:s29] =	ssyncadd.s32 $0xFFFFFFFF  }
0xbc: {  	_ =	strace $0x90000048  }
0xbd: {  	_ =	sfence  }
0xbe: {  	s30 =	sld [smem:$0x0];
	_ =	sdelay $0x2  }
0xbf: {  	s31 =	sshll.u32 s1, $0xD;
	s1 =	sshrl.u32 s1, $0x2  }
0xc0: {  	s3 =	sand.u32 $0x4000, s31;
	s1 =	sadd.s32 s1, s30  }
0xc1: {  	s0 =	sor.u32 s3, s0;
	s1 =	sshll.u32 s1, $0x11  }
0xc2: {  	s0 =	sor.u32 s1, s0  }
0xc3: {  	s0 =	sadd.s32 $0x8F2B, s0  }
0xc4: {  	[sflag:s0] =	ssyncadd.remote.s32 $0x1  }
0xc5: {  	_ =	sfence.sel $0xFFFF  }
0xc6: {  	[dreg:$0x0] =	wrdreg $0xFFFFFFFF;
	(pc) =	sbr.abs _section_cstart, $3  }
0xc7: {  	[dreg:$0x1] =	wrdreg $0xFFFFFFFF  }
0xc8: {  	_ =	task.clear_ibuf [dreg:s7], $0x2FFFF;
	_ =	strace $0x9FFFFFFF  }
0xc9: {  	(tm) =	ssettm $0x7FFFFFFF  }
tec
execute0_lowered:
.L_overlay_start_1:
0x0: {  	(tag) =	ssettag $0x1  }
0x1: {  	s7 =	rddreg [dreg:$0x0]  }
0x2: {  	s6 =	rddreg [dreg:$0x1];
	s1 =	srdreg.scid  }
0x3: {  	s0 =	stileid.u32;
	s2 =	rddreg [dreg:$0x2];
	s3 =	simm.s32 $0x0  }
0x4: {  	s18 =	simm.s32 $0x1;
	s19 =	simm.s32 $0x4900;
	s20 =	simm.s32 $0x4100  }
0x5: {  	s23 =	simm.s32 $0x0;
	s8 =	sand.u32 $0x1, s1;
	s1 =	rddreg [dreg:$0x3]  }
0x6: {  	s9 =	sshll.u32 s0, $0x1;
	[smem:$0x7FF] =	sst s3;
	s4 =	sadd.s32 $0x1200, s6  }
0x7: {  	s12 =	sshll.u32 s0, $0xA;
	s13 =	sshll.u32 s0, $0xD;
	s21 =	sshll.u32 s0, $0x6  }
0x8: {  	s10 =	sor.u32 s8, s9;
	_ =	strace $0x80000047;
	s14 =	sshll.u32 s8, $0x11  }
0x9: {  	s12 =	sadd.s32 s12, s6;
	s15 =	ssub.s32 $0x2, s8;
	s9 =	sadd.s32 s9, s6  }
0xa: {  	s8 =	sshll.u32 s8, $0x5;
	s22 =	sadd.s32 s13, s2;
	s21 =	sor.u32 $0x1C02, s21  }
0xb: {  	s5 =	sshll.u32 s10, $0x5;
	s14 =	sor.u32 s13, s14;
	s10 =	sshll.u32 s10, $0xA  }
0xc: {  	s17 =	sshrl.u32 s15, $0x1;
	s8 =	sadd.s32 s8, s9;
	s13 =	simm.s32 $0x2  }
0xd: {  	s22 =	sshrl.u32 s22, $0x3;
	s11 =	sadd.s32 s5, s6;
	s5 =	sadd.s32 $0xD600, s6  }
0xe: {  	s14 =	sshrl.u32 s14, $0x3;
	s16 =	sadd.s32 s10, s6;
	s15 =	ssub.s32 s15, s17  }
0xf: {  	s7 =	sadd.s32 s7, s10;
	s8 =	sadd.s32 $0x15800, s8;
	s10 =	sadd.s32 $0x9600, s12  }
0x10: {  	s17 =	simm.s32 $0x2100;
	s14 =	sadd.s32 s14, s6;
	s6 =	sadd.s32 $0x9200, s11  }
0x11: {  	s9 =	sadd.s32 $0x15A00, s16;
	s12 =	smax.u32 s15, $0x1;
	s15 =	simm.s32 $0x100  }
0x12: {  	s16 =	simm.s32 $0x1100;
	s11 =	sadd.s32 $0xD800, s14;
	s14 =	simm.s32 $0x80  }
.LBB2_1:
0x13: {  	[tilespmem:s3], [sflag:$0x2] =	stream.linear.gather [hbm4b:s6+s3], $0x100, $0x38;
	[tilespmem:$0x6910] =	vst v63  }
0x14: {  	_ =	swait.ge [sflag:s13], $0x100  }
0x15: {  	[sflag:s13] =	ssyncset.done $0x0  }
0x16: {  	[sflag:s13] =	ssyncadd.s32 $0xFFFFFF00  }
0x17: {  	[tilespmem:s15], [sflag:$0x1] =	stream.indirect.gather [hbm4b:s4+s14], $0x20, s3, s14, $0xb8;
	[tilespmem:$0x6910] =	vst v63  }
0x18: {  	_ = 	snop  }
0x19: {  	[tilespmem:s16], [sflag:$0x1] =	stream.indirect.gather [hbm4b:s4+s14], $0x20, s14, s14, $0xb8;
	[tilespmem:$0x6910] =	vst v63  }
0x1a: {  	_ = 	snop  }
0x1b: {  	[tilespmem:s17], [sflag:$0x2] =	stream.linear.gather [hbm4b:s7+s3], $0x2000, $0x38;
	[tilespmem:$0x6910] =	vst v63  }
0x1c: {  	_ =	swait.ge [sflag:s13], $0x2000  }
0x1d: {  	[sflag:s13] =	ssyncset.done $0x0  }
0x1e: {  	[sflag:s13] =	ssyncadd.s32 $0xFFFFE000  }
0x1f: {  	_ =	swait.ge [sflag:s18], $0x1000  }
0x20: {  	[sflag:s18] =	ssyncset.done $0x0  }
0x21: {  	[sflag:s18] =	ssyncadd.s32 $0xFFFFF000  }
0x22: {  	_ =	swait.ge [sflag:s18], $0x1000  }
0x23: {  	[sflag:s18] =	ssyncset.done $0x0  }
0x24: {  	s24 =	simm.s32 $0x0;
	[sflag:s18] =	ssyncadd.s32 $0xFFFFF000  }
0x25: {  	v3 =	vld [tilespmem:s24+$0x2110]  }
0x26: {  	v0 =	vld [tilespmem:s24+$0x2100]  }
0x27: {  	v1 =	vld [tilespmem:s24+$0x100]  }
0x28: {  	v2 =	vld [tilespmem:s24+$0x110];
	_ =	sdelay $0x3  }
0x29: {  	v5 =	vsub.f32 v1, v0  }
0x2a: {  	v6 =	vsub.f32 v2, v3  }
0x2b: {  	s25 =	simm.s32 $0x20;
	v4 =	vadd.f32 v5, v0;
	v2 =	vmul.f32 v5, v5  }
0x2c: {  	s26 =	simm.s32 $0x100;
	v1 =	vimm.f32 $0.0e+00;
	v0 =	vld [tilespmem:s25+$0x2110];
	v5 =	vadd.f32 v6, v3;
	v3 =	vmul.f32 v6, v6  }
.LBB2_2:
0x2d: {  	p0 =	sne.s32 s26, $0x7F80;
	v6 =	vld [tilespmem:s25+$0x2100];
	[tilespmem:s24+$0x100] =	vst v4;
	v1 =	vadd.f32 v2, v1  }
0x2e: {  	v2 =	vld [tilespmem:s25+$0x100];
	[tilespmem:s24+$0x110] =	vst v5;
	s24 =	smov.u32 s25  }
0x2f: {  	v4 =	vld [tilespmem:s24+$0x110];
	v1 =	vadd.f32 v3, v1;
	_ =	sdelay $0x2  }
.Ltmp0:
0x30: {  	(pc) =	sbr.rel @p0 .LBB2_2-.Ltmp0, $4  }
0x31: {  	v2 =	vsub.f32 v2, v6  }
0x32: {  	v3 =	vsub.f32 v4, v0  }
0x33: {  	s25 =	sshra.s32 s26, $0x2;
	v4 =	vadd.f32 v2, v6;
	v2 =	vmul.f32 v2, v2  }
0x34: {  	s26 =	sadd.s32 $0x80, s26;
	v5 =	vadd.f32 v3, v0;
	v0 =	vld [tilespmem:s25+$0x2110];
	v3 =	vmul.f32 v3, v3  }
0x35: {  	v6 =	vld [tilespmem:s25+$0x2100];
	[tilespmem:s24+$0x100] =	vst v4  }
0x36: {  	v4 =	vld [tilespmem:s25+$0x100]  }
0x37: {  	[tilespmem:s24+$0x110] =	vst v5  }
0x38: {  	v5 =	vld [tilespmem:s25+$0x110];
	_ =	sdelay $0x2  }
0x39: {  	v1 =	vadd.f32 v2, v1;
	v62 =	vsub.f32 v4, v6;
	_ =	sdelay $0x1  }
0x3a: {  	v1 =	vadd.f32 v3, v1;
	v63 =	vsub.f32 v5, v0;
	v4 =	vmul.f32 v62, v62;
	_ =	sdelay $0x1  }
0x3b: {  	v2 =	vadd.f32 v62, v6;
	v5 =	vmul.f32 v63, v63;
	v1 =	vadd.f32 v4, v1  }
0x3c: {  	v0 =	vadd.f32 v63, v0  }
0x3d: {  	[tilespmem:s25+$0x100] =	vst v2;
	v1 =	vadd.f32 v5, v1  }
0x3e: {  	[tilespmem:s25+$0x110] =	vst v0  }
0x3f: {  	[tilespmem:$0x4900] =	vst v1  }
0x40: {  	[hbm4b:s8+s3] =	stream.linear.scatter [tilespmem:s19], [sflag:$0x2], $0x10, $0x38;
	[tilespmem:$0x6910] =	vst v63  }
0x41: {  	_ =	swait.ge [sflag:s13], $0x10  }
0x42: {  	[sflag:s13] =	ssyncset.done $0x0  }
0x43: {  	[sflag:s13] =	ssyncadd.s32 $0xFFFFFFF0  }
0x44: {  	[hbm4b:s9+s3] =	stream.linear.scatter [tilespmem:s15], [sflag:$0x2], $0x2000, $0x38;
	[tilespmem:$0x6910] =	vst v63  }
0x45: {  	_ =	swait.ge [sflag:s13], $0x2000  }
0x46: {  	[sflag:s13] =	ssyncset.done $0x0  }
0x47: {  	[sflag:s13] =	ssyncadd.s32 $0xFFFFE000  }
0x48: {  	[tilespmem:s20], [sflag:$0x2] =	stream.linear.gather [hbm4b:s5+s3], $0x800, $0x38;
	[tilespmem:$0x6910] =	vst v63  }
0x49: {  	_ =	swait.ge [sflag:s13], $0x800  }
0x4a: {  	[sflag:s13] =	ssyncset.done $0x0  }
0x4b: {  	[sflag:s13] =	ssyncadd.s32 $0xFFFFF800  }
0x4c: {  	[spmem:s22], [sflag:s21] =	dma.local [hbm:s10], $0x400  }
0x4d: {  	_ =	swait.ge [sflag:s13], $0x400  }
0x4e: {  	[sflag:s13] =	ssyncset.done $0x0  }
0x4f: {  	[sflag:s13] =	ssyncadd.s32 $0xFFFFFC00  }
0x50: {  	[bflag:$0x0] =	sbarrier.arrive $0xFFFF  }
0x51: {  	[spmem:s2] =	stream.indirect.scatter.add.f32 [tilespmem:s20], [sflag:$0x2], $0x10, s3, s14, $0xb8;
	[tilespmem:$0x6910] =	vst v63  }
0x52: {  	_ =	swait.ge [sflag:s13], $0x800  }
0x53: {  	[sflag:s13] =	ssyncset.done $0x0  }
0x54: {  	[sflag:s13] =	ssyncadd.s32 $0xFFFFF800  }
0x55: {  	[spmem:s2] =	stream.indirect.scatter.add.f32 [tilespmem:s20], [sflag:$0x2], $0x10, s14, s14, $0xb8;
	[tilespmem:$0x6910] =	vst v63  }
0x56: {  	_ =	swait.ge [sflag:s13], $0x800  }
0x57: {  	s23 =	sadd.s32 $0x1, s23;
	[sflag:s13] =	ssyncset.done $0x0  }
0x58: {  	p0 =	sne.s32 s23, s12;
	[sflag:s13] =	ssyncadd.s32 $0xFFFFF800  }
.Ltmp1:
0x59: {  	[bflag:$0x0] =	sbarrier.arrive $0xFFFF;
	(pc) =	sbr.rel @p0 .LBB2_1-.Ltmp1, $4  }
0x5a: {  	[hbm:s11], [sflag:s21] =	dma.local [spmem:s22], $0x400  }
0x5b: {  	_ =	swait.ge [sflag:s13], $0x400  }
0x5c: {  	[sflag:s13] =	ssyncset.done $0x0  }
0x5d: {  	[sflag:s13] =	ssyncadd.s32 $0xFFFFFC00  }
0x5e: {  	_ =	sfence.sel $0x180000  }
0x5f: {  	[bflag:$0x0] =	sbarrier.arrive $0xFFFF  }
0x60: {  	p0 =	sne.s32 s0, $0x0;
	_ =	strace $0x90000047  }
0x61: {  	s0 =	sadd.s32 @!p0 $0x100000, s1;
	[bflag:$0x2] =	sbarrier.arrive $0xFFFF  }
0x62: {  	[sflag:s0] =	ssyncadd.tile.s32 @!p0 $0x1;
	_ =	shalt  }
.Lfunc_end2:
_tile_overlayer_lowered:
.L_overlay_start_2:
0x63: {  	(tag) =	ssettag $0x2  }
0x64: {  	s0 =	rddreg [dreg:$0x0];
	s2 =	stileid.u32  }
0x65: {  	s1 =	rddreg [dreg:$0x1];
	p0 =	sne.s32 s2, $0x0  }
0x66: {  	s3 =	rddreg [dreg:$0x2];
	[bflag:$0x3] =	sbarrier.arrive $0xFFFF;
	s2 =	simm.s32 @!p0 $0x1C02  }
0x67: {  	[timem:s3], [sflag:s2] =	dma.local @!p0 [hbm:s0], s1  }
0x68: {  	s0 =	simm.s32 @!p0 $0x2  }
0x69: {  	_ =	swait.ge @!p0 [sflag:s0], s1  }
0x6a: {  	s1 =	ssub.s32 @!p0 $0x0, s1;
	[sflag:s0] =	ssyncset.done @!p0 $0x0  }
0x6b: {  	[sflag:s0] =	ssyncadd.s32 @!p0 s1  }
0x6c: {  	[bflag:$0x3] =	sbarrier.arrive $0xFFFF  }
0x6d: {  	_ =	shalt  }

</sc_bundles>
